<compile_context>
chip_gen: v7x
topology: tpu7x:2x2x1
jax: 0.10.2.dev20260603
libtpu: 0.0.44.dev20260713+nightly
codegen_flags: <defaults>
</compile_context>

<pallas_src>
import functools

import jax
import jax.numpy as jnp
from jax import lax
from jax.experimental import pallas as pl
from jax.experimental.pallas import tpu as pltpu
from jax.experimental.pallas import tpu_sc as plsc

CHARSET = 1000
UNIVERSAL = 1024
DIM = 128
BATCH = 4096
SEQ = 200

NC = 2
NS = 16
NW = NC * NS

TOTAL = BATCH * SEQ
PER_W = TOTAL // NW
CHUNK = 128
NCHUNK = PER_W // CHUNK
NBUF = 5


def _matmul_body(a_ref, b_ref, o_ref):
    o_ref[...] = jnp.dot(a_ref[...], b_ref[...],
                         preferred_element_type=jnp.float32)


def _compute_table(mapping_weight, char_emb_weight):
    return pl.pallas_call(
        _matmul_body,
        out_shape=jax.ShapeDtypeStruct((CHARSET, DIM), jnp.float32),
    )(mapping_weight, char_emb_weight)


_mesh = plsc.VectorSubcoreMesh(core_axis_name="c", subcore_axis_name="s")


@functools.partial(
    pl.kernel,
    mesh=_mesh,
    out_type=jax.ShapeDtypeStruct((NW * NCHUNK, CHUNK, DIM), jnp.float32),
    scratch_types=[
        pltpu.VMEM((NCHUNK, CHUNK), jnp.int32),
        pltpu.VMEM((NBUF, CHUNK, DIM), jnp.float32),
        pltpu.VMEM_SHARED((CHARSET, DIM), jnp.float32),
        pltpu.SemaphoreType.DMA,
        pltpu.SemaphoreType.DMA,
    ],
)
def _sc_gather(table_hbm, idx_hbm, out_hbm, idx_v, rows_v, tab_sh,
               gsem, ssem):
    sid = lax.axis_index("s")
    wid = sid * NC + lax.axis_index("c")

    @pl.when(sid < NS - 1)
    def _():
        pltpu.sync_copy(table_hbm.at[pl.ds(sid * 64, 64)],
                        tab_sh.at[pl.ds(sid * 64, 64)])

    @pl.when(sid == NS - 1)
    def _():
        pltpu.sync_copy(table_hbm.at[pl.ds((NS - 1) * 64, CHARSET - (NS - 1) * 64)],
                        tab_sh.at[pl.ds((NS - 1) * 64, CHARSET - (NS - 1) * 64)])

    pltpu.sync_copy(idx_hbm.at[wid], idx_v)
    plsc.subcore_barrier()
    gbase = wid * NCHUNK

    def start_gather(g, buf):
        pltpu.async_copy(tab_sh.at[idx_v.at[g]], rows_v.at[buf], gsem)

    def wait_gather(g, buf):
        pltpu.make_async_copy(tab_sh.at[idx_v.at[g]], rows_v.at[buf],
                              gsem).wait()

    def scatter_copy(g, buf):
        return pltpu.make_async_copy(rows_v.at[buf], out_hbm.at[gbase + g],
                                     ssem)

    start_gather(0, 0)
    start_gather(1, 1)
    start_gather(2, 2)

    def body(g, carry):
        buf = lax.rem(g, NBUF)
        wait_gather(g, buf)
        scatter_copy(g, buf).start()

        @pl.when(g + 3 < NCHUNK)
        def _():
            @pl.when(g >= NBUF - 3)
            def _():
                scatter_copy(g - (NBUF - 3), lax.rem(g + 3, NBUF)).wait()

            start_gather(g + 3, lax.rem(g + 3, NBUF))

        return carry

    lax.fori_loop(0, NCHUNK, body, 0)
    for t in range(NCHUNK - NBUF, NCHUNK):
        scatter_copy(t, lax.rem(t, NBUF)).wait()


def kernel(char_seq, mapping_weight, char_emb_weight):
    table = _compute_table(mapping_weight, char_emb_weight)
    idx = char_seq.reshape(NW, NCHUNK, CHUNK).astype(jnp.int32)
    out = _sc_gather(table, idx)
    return out.reshape(BATCH, SEQ, DIM)

# --- scband reference (transcript-rebuilt; emitter-appended) ---
"""Pipeline reference for scband-universal-char-embedding-60404420051645 (READ-ONLY COPY).

The authoritative reference and input builder live on the scoring server;
editing this copy changes nothing except your own understanding.
"""

import jax, jax.numpy as jnp
import numpy as np

CHARSET_SIZE = 1000
UNIVERSAL_CHARSET_SIZE = 1024
CHAR_EMB_DIM = 128
BATCH = 4096
SEQ = 200

def setup_inputs(seed: int = 0) -> dict:
    key = jax.random.key(seed)
    k1, k2, k3 = jax.random.split(key, 3)
    char_seq = jax.random.randint(k1, (BATCH, SEQ), 0, CHARSET_SIZE, dtype=jnp.int64 if jax.config.jax_enable_x64 else jnp.int32)
    # per-language mapping weight: nn.Embedding(len(charset), universal_charset_size).weight
    mapping_weight = jax.random.normal(k2, (CHARSET_SIZE, UNIVERSAL_CHARSET_SIZE), dtype=jnp.float32) * 0.02
    # shared universal char embedding table: nn.Embedding(universal_charset_size, char_emb_dim).weight
    char_emb_weight = jax.random.normal(k3, (UNIVERSAL_CHARSET_SIZE, CHAR_EMB_DIM), dtype=jnp.float32) * 0.02
    return {"char_seq": char_seq, "mapping_weight": mapping_weight, "char_emb_weight": char_emb_weight}

def reference(char_seq, mapping_weight, char_emb_weight):
    # mapping_temperature == 0.0 -> mapping(lang) is just the raw weight
    # get_char_weight: mapping @ universal char embedding -> [charset, char_emb_dim]
    lang_char_emb = mapping_weight @ char_emb_weight
    # forward: gather rows by char ids
    return jnp.take(lang_char_emb, char_seq, axis=0)

if __name__ == "__main__":
    import jax
    _d = setup_inputs()
    print(jax.jit(kernel)(*tuple(_d.values())))

</pallas_src>

<mosaic_0001>
#map = affine_map<(d0, d1) -> (0, 0)>
#map1 = affine_map<(d0, d1) -> (0, 0, 0)>
module attributes {stable_mosaic.version = 14 : i64} {
  func.func @_sc_gather(%arg0: i32, %arg1: i32, %arg2: memref<1000x128xf32, #tpu.memory_space<hbm>>, %arg3: memref<32x200x128xi32, #tpu.memory_space<hbm>>, %arg4: memref<6400x128x128xf32, #tpu.memory_space<hbm>>, %arg5: memref<200x128xi32, #tpu.memory_space<vmem>>, %arg6: memref<5x128x128xf32, #tpu.memory_space<vmem>>, %arg7: memref<1000x128xf32, #tpu.memory_space<vmem_shared>>, %arg8: memref<!tpu.dma_semaphore, #tpu.memory_space<semaphore_mem>>, %arg9: memref<!tpu.dma_semaphore, #tpu.memory_space<semaphore_mem>>) attributes {dimension_semantics = [#tpu.dimension_semantics<core_parallel>, #tpu.dimension_semantics<subcore_parallel>], iteration_bounds = array<i64: 2, 16>, scalar_prefetch = 0 : i64, scratch_operands = 5 : i64, tpu.core_type = #tpu.core_type<sc_vector_subcore>, window_params = [{transform_indices = #map}, {transform_indices = #map1}, {transform_indices = #map1}]} {
    %mul3A = arith.constant 2 : i32
    %mul3A_0 = arith.muli %arg1, %mul3A : i32
    %add3A = arith.addi %mul3A_0, %arg0 : i32
    %lt3A = arith.constant 15 : i32
    %lt3A_1 = arith.cmpi slt, %arg1, %lt3A : i32
    %convert_element_type3A = arith.extui %lt3A_1 : i1 to i32
    %cond3A = arith.constant 0 : i32
    %cond3A_2 = arith.cmpi ne, %convert_element_type3A, %cond3A : i32
    scf.if %cond3A_2 {
      %mul3A_152 = arith.constant 64 : i32
      %mul3A_153 = arith.muli %arg1, %mul3A_152 : i32
      %mul3A_154 = arith.constant 64 : i32
      %mul3A_155 = arith.muli %arg1, %mul3A_154 : i32
      "tpu.region"() ({
        %run_scoped3A = tpu.sem_alloc : memref<!tpu.dma_semaphore, #tpu.memory_space<semaphore_mem>>
        %dma_start3A_156 = arith.constant 0 : i32
        %dma_start3A_157 = tpu.memref_slice %arg7[%mul3A_155, %dma_start3A_156] : memref<1000x128xf32, #tpu.memory_space<vmem_shared>> -> memref<64x128xf32, #tpu.memory_space<vmem_shared>>
        %dma_start3A_158 = arith.constant 0 : i32
        %dma_start3A_159 = tpu.memref_slice %arg2[%mul3A_153, %dma_start3A_158] : memref<1000x128xf32, #tpu.memory_space<hbm>> -> memref<64x128xf32, #tpu.memory_space<hbm>>
        tpu.enqueue_dma source(%dma_start3A_159 : memref<64x128xf32, #tpu.memory_space<hbm>>) target(%dma_start3A_157 : memref<64x128xf32, #tpu.memory_space<vmem_shared>>) target_semaphore(%run_scoped3A : memref<!tpu.dma_semaphore, #tpu.memory_space<semaphore_mem>>)
        %dma_wait3A_160 = arith.constant 0 : i32
        %dma_wait3A_161 = tpu.memref_slice %arg7[%mul3A_155, %dma_wait3A_160] : memref<1000x128xf32, #tpu.memory_space<vmem_shared>> -> memref<64x128xf32, #tpu.memory_space<vmem_shared>>
        %dma_wait3A_162 = arith.constant 0 : i32
        %dma_wait3A_163 = tpu.memref_slice %arg2[%mul3A_153, %dma_wait3A_162] : memref<1000x128xf32, #tpu.memory_space<hbm>> -> memref<64x128xf32, #tpu.memory_space<hbm>>
        tpu.wait_dma2 semaphore(%run_scoped3A : memref<!tpu.dma_semaphore, #tpu.memory_space<semaphore_mem>>) src(%dma_wait3A_163 : memref<64x128xf32, #tpu.memory_space<hbm>>) dst(%dma_wait3A_161 : memref<64x128xf32, #tpu.memory_space<vmem_shared>>)
        tpu.yield
      }) : () -> ()
    } else {
    }
    %eq3A = arith.constant 15 : i32
    %eq3A_3 = arith.cmpi eq, %arg1, %eq3A : i32
    %convert_element_type3A_4 = arith.extui %eq3A_3 : i1 to i32
    %cond3A_5 = arith.constant 0 : i32
    %cond3A_6 = arith.cmpi ne, %convert_element_type3A_4, %cond3A_5 : i32
    scf.if %cond3A_6 {
      "tpu.region"() ({
        %run_scoped3A = tpu.sem_alloc : memref<!tpu.dma_semaphore, #tpu.memory_space<semaphore_mem>>
        %dma_start3A_152 = arith.constant 960 : i32
        %dma_start3A_153 = arith.constant 0 : i32
        %dma_start3A_154 = tpu.memref_slice %arg7[%dma_start3A_152, %dma_start3A_153] : memref<1000x128xf32, #tpu.memory_space<vmem_shared>> -> memref<40x128xf32, #tpu.memory_space<vmem_shared>>
        %dma_start3A_155 = arith.constant 960 : i32
        %dma_start3A_156 = arith.constant 0 : i32
        %dma_start3A_157 = tpu.memref_slice %arg2[%dma_start3A_155, %dma_start3A_156] : memref<1000x128xf32, #tpu.memory_space<hbm>> -> memref<40x128xf32, #tpu.memory_space<hbm>>
        tpu.enqueue_dma source(%dma_start3A_157 : memref<40x128xf32, #tpu.memory_space<hbm>>) target(%dma_start3A_154 : memref<40x128xf32, #tpu.memory_space<vmem_shared>>) target_semaphore(%run_scoped3A : memref<!tpu.dma_semaphore, #tpu.memory_space<semaphore_mem>>)
        %dma_wait3A_158 = arith.constant 960 : i32
        %dma_wait3A_159 = arith.constant 0 : i32
        %dma_wait3A_160 = tpu.memref_slice %arg7[%dma_wait3A_158, %dma_wait3A_159] : memref<1000x128xf32, #tpu.memory_space<vmem_shared>> -> memref<40x128xf32, #tpu.memory_space<vmem_shared>>
        %dma_wait3A_161 = arith.constant 960 : i32
        %dma_wait3A_162 = arith.constant 0 : i32
        %dma_wait3A_163 = tpu.memref_slice %arg2[%dma_wait3A_161, %dma_wait3A_162] : memref<1000x128xf32, #tpu.memory_space<hbm>> -> memref<40x128xf32, #tpu.memory_space<hbm>>
        tpu.wait_dma2 semaphore(%run_scoped3A : memref<!tpu.dma_semaphore, #tpu.memory_space<semaphore_mem>>) src(%dma_wait3A_163 : memref<40x128xf32, #tpu.memory_space<hbm>>) dst(%dma_wait3A_160 : memref<40x128xf32, #tpu.memory_space<vmem_shared>>)
        tpu.yield
      }) : () -> ()
    } else {
    }
    "tpu.region"() ({
      %run_scoped3A = tpu.sem_alloc : memref<!tpu.dma_semaphore, #tpu.memory_space<semaphore_mem>>
      %dma_start3A_152 = arith.constant 0 : i32
      %dma_start3A_153 = arith.constant 0 : i32
      %dma_start3A_154 = tpu.memref_slice %arg3[%add3A, %dma_start3A_152, %dma_start3A_153] : memref<32x200x128xi32, #tpu.memory_space<hbm>> -> memref<1x200x128xi32, #tpu.memory_space<hbm>>
      %dma_start3A_155 = tpu.memref_squeeze %dma_start3A_154 : memref<1x200x128xi32, #tpu.memory_space<hbm>> -> memref<200x128xi32, #tpu.memory_space<hbm>>
      %dma_start3A_156 = arith.constant 0 : i32
      %dma_start3A_157 = arith.constant 0 : i32
      %dma_start3A_158 = tpu.memref_slice %arg3[%add3A, %dma_start3A_156, %dma_start3A_157] : memref<32x200x128xi32, #tpu.memory_space<hbm>> -> memref<1x200x128xi32, #tpu.memory_space<hbm>>
      %dma_start3A_159 = tpu.memref_squeeze %dma_start3A_158 : memref<1x200x128xi32, #tpu.memory_space<hbm>> -> memref<200x128xi32, #tpu.memory_space<hbm>>
      tpu.enqueue_dma source(%dma_start3A_159 : memref<200x128xi32, #tpu.memory_space<hbm>>) target(%arg5 : memref<200x128xi32, #tpu.memory_space<vmem>>) target_semaphore(%run_scoped3A : memref<!tpu.dma_semaphore, #tpu.memory_space<semaphore_mem>>)
      %dma_wait3A_160 = arith.constant 0 : i32
      %dma_wait3A_161 = arith.constant 0 : i32
      %dma_wait3A_162 = tpu.memref_slice %arg3[%add3A, %dma_wait3A_160, %dma_wait3A_161] : memref<32x200x128xi32, #tpu.memory_space<hbm>> -> memref<1x200x128xi32, #tpu.memory_space<hbm>>
      %dma_wait3A_163 = tpu.memref_squeeze %dma_wait3A_162 : memref<1x200x128xi32, #tpu.memory_space<hbm>> -> memref<200x128xi32, #tpu.memory_space<hbm>>
      %dma_wait3A_164 = arith.constant 0 : i32
      %dma_wait3A_165 = arith.constant 0 : i32
      %dma_wait3A_166 = tpu.memref_slice %arg3[%add3A, %dma_wait3A_164, %dma_wait3A_165] : memref<32x200x128xi32, #tpu.memory_space<hbm>> -> memref<1x200x128xi32, #tpu.memory_space<hbm>>
      %dma_wait3A_167 = tpu.memref_squeeze %dma_wait3A_166 : memref<1x200x128xi32, #tpu.memory_space<hbm>> -> memref<200x128xi32, #tpu.memory_space<hbm>>
      tpu.wait_dma2 semaphore(%run_scoped3A : memref<!tpu.dma_semaphore, #tpu.memory_space<semaphore_mem>>) src(%dma_wait3A_167 : memref<200x128xi32, #tpu.memory_space<hbm>>) dst(%arg5 : memref<200x128xi32, #tpu.memory_space<vmem>>)
      tpu.yield
    }) : () -> ()
    %barrier3A = arith.constant 0 : index
    tpu.barrier barrier_id(%barrier3A)
    %mul3A_7 = arith.constant 200 : i32
    %mul3A_8 = arith.muli %add3A, %mul3A_7 : i32
    %dma_start3A = arith.constant 0 : i32
    %dma_start3A_9 = arith.constant 0 : i32
    %dma_start3A_10 = arith.constant 0 : i32
    %dma_start3A_11 = arith.constant 0 : i32
    %dma_start3A_12 = tpu.memref_slice %arg6[%dma_start3A_9, %dma_start3A_10, %dma_start3A_11] : memref<5x128x128xf32, #tpu.memory_space<vmem>> -> memref<1x128x128xf32, #tpu.memory_space<vmem>>
    %dma_start3A_13 = tpu.memref_squeeze %dma_start3A_12 : memref<1x128x128xf32, #tpu.memory_space<vmem>> -> memref<128x128xf32, #tpu.memory_space<vmem>>
    %dma_start3A_14 = arith.constant 0 : i32
    %dma_start3A_15 = tpu.memref_slice %arg5[%dma_start3A, %dma_start3A_14] : memref<200x128xi32, #tpu.memory_space<vmem>> -> memref<1x128xi32, #tpu.memory_space<vmem>>
    %dma_start3A_16 = tpu.memref_squeeze %dma_start3A_15 : memref<1x128xi32, #tpu.memory_space<vmem>> -> memref<128xi32, #tpu.memory_space<vmem>>
    %dma_start3A_17 = arith.constant 0 : i32
    %dma_start3A_18 = arith.constant 0 : i32
    %dma_start3A_19 = tpu.memref_slice %arg7[%dma_start3A_17, %dma_start3A_18] : memref<1000x128xf32, #tpu.memory_space<vmem_shared>> -> memref<1000x128xf32, #tpu.memory_space<vmem_shared>>
    tpu.enqueue_indirect_dma source(%dma_start3A_19 : memref<1000x128xf32, #tpu.memory_space<vmem_shared>>) target(%dma_start3A_13 : memref<128x128xf32, #tpu.memory_space<vmem>>) offsets(%dma_start3A_16 : memref<128xi32, #tpu.memory_space<vmem>>) semaphore(%arg8 : memref<!tpu.dma_semaphore, #tpu.memory_space<semaphore_mem>>)
    %dma_start3A_20 = arith.constant 1 : i32
    %dma_start3A_21 = arith.constant 1 : i32
    %dma_start3A_22 = arith.constant 0 : i32
    %dma_start3A_23 = arith.constant 0 : i32
    %dma_start3A_24 = tpu.memref_slice %arg6[%dma_start3A_21, %dma_start3A_22, %dma_start3A_23] : memref<5x128x128xf32, #tpu.memory_space<vmem>> -> memref<1x128x128xf32, #tpu.memory_space<vmem>>
    %dma_start3A_25 = tpu.memref_squeeze %dma_start3A_24 : memref<1x128x128xf32, #tpu.memory_space<vmem>> -> memref<128x128xf32, #tpu.memory_space<vmem>>
    %dma_start3A_26 = arith.constant 0 : i32
    %dma_start3A_27 = tpu.memref_slice %arg5[%dma_start3A_20, %dma_start3A_26] : memref<200x128xi32, #tpu.memory_space<vmem>> -> memref<1x128xi32, #tpu.memory_space<vmem>>
    %dma_start3A_28 = tpu.memref_squeeze %dma_start3A_27 : memref<1x128xi32, #tpu.memory_space<vmem>> -> memref<128xi32, #tpu.memory_space<vmem>>
    %dma_start3A_29 = arith.constant 0 : i32
    %dma_start3A_30 = arith.constant 0 : i32
    %dma_start3A_31 = tpu.memref_slice %arg7[%dma_start3A_29, %dma_start3A_30] : memref<1000x128xf32, #tpu.memory_space<vmem_shared>> -> memref<1000x128xf32, #tpu.memory_space<vmem_shared>>
    tpu.enqueue_indirect_dma source(%dma_start3A_31 : memref<1000x128xf32, #tpu.memory_space<vmem_shared>>) target(%dma_start3A_25 : memref<128x128xf32, #tpu.memory_space<vmem>>) offsets(%dma_start3A_28 : memref<128xi32, #tpu.memory_space<vmem>>) semaphore(%arg8 : memref<!tpu.dma_semaphore, #tpu.memory_space<semaphore_mem>>)
    %dma_start3A_32 = arith.constant 2 : i32
    %dma_start3A_33 = arith.constant 2 : i32
    %dma_start3A_34 = arith.constant 0 : i32
    %dma_start3A_35 = arith.constant 0 : i32
    %dma_start3A_36 = tpu.memref_slice %arg6[%dma_start3A_33, %dma_start3A_34, %dma_start3A_35] : memref<5x128x128xf32, #tpu.memory_space<vmem>> -> memref<1x128x128xf32, #tpu.memory_space<vmem>>
    %dma_start3A_37 = tpu.memref_squeeze %dma_start3A_36 : memref<1x128x128xf32, #tpu.memory_space<vmem>> -> memref<128x128xf32, #tpu.memory_space<vmem>>
    %dma_start3A_38 = arith.constant 0 : i32
    %dma_start3A_39 = tpu.memref_slice %arg5[%dma_start3A_32, %dma_start3A_38] : memref<200x128xi32, #tpu.memory_space<vmem>> -> memref<1x128xi32, #tpu.memory_space<vmem>>
    %dma_start3A_40 = tpu.memref_squeeze %dma_start3A_39 : memref<1x128xi32, #tpu.memory_space<vmem>> -> memref<128xi32, #tpu.memory_space<vmem>>
    %dma_start3A_41 = arith.constant 0 : i32
    %dma_start3A_42 = arith.constant 0 : i32
    %dma_start3A_43 = tpu.memref_slice %arg7[%dma_start3A_41, %dma_start3A_42] : memref<1000x128xf32, #tpu.memory_space<vmem_shared>> -> memref<1000x128xf32, #tpu.memory_space<vmem_shared>>
    tpu.enqueue_indirect_dma source(%dma_start3A_43 : memref<1000x128xf32, #tpu.memory_space<vmem_shared>>) target(%dma_start3A_37 : memref<128x128xf32, #tpu.memory_space<vmem>>) offsets(%dma_start3A_40 : memref<128xi32, #tpu.memory_space<vmem>>) semaphore(%arg8 : memref<!tpu.dma_semaphore, #tpu.memory_space<semaphore_mem>>)
    %scan3A = arith.constant 0 : i32
    %scan3A_44 = arith.constant 0 : i32
    %scan3A_45 = arith.constant 200 : i32
    %scan3A_46 = arith.addi %scan3A_44, %scan3A_45 : i32
    %scan3A_47 = arith.constant 1 : i32
    scf.for %scan3A_152 = %scan3A_44 to %scan3A_46 step %scan3A_47  : i32 {
      %rem3A_153 = arith.constant 5 : i32
      %rem3A_154 = arith.remsi %scan3A_152, %rem3A_153 : i32
      %dma_wait3A_155 = arith.constant 0 : i32
      %dma_wait3A_156 = arith.constant 0 : i32
      %dma_wait3A_157 = tpu.memref_slice %arg6[%rem3A_154, %dma_wait3A_155, %dma_wait3A_156] : memref<5x128x128xf32, #tpu.memory_space<vmem>> -> memref<1x128x128xf32, #tpu.memory_space<vmem>>
      %dma_wait3A_158 = tpu.memref_squeeze %dma_wait3A_157 : memref<1x128x128xf32, #tpu.memory_space<vmem>> -> memref<128x128xf32, #tpu.memory_space<vmem>>
      %dma_wait3A_159 = arith.constant 0 : i32
      %dma_wait3A_160 = tpu.memref_slice %arg5[%scan3A_152, %dma_wait3A_159] : memref<200x128xi32, #tpu.memory_space<vmem>> -> memref<1x128xi32, #tpu.memory_space<vmem>>
      %dma_wait3A_161 = tpu.memref_squeeze %dma_wait3A_160 : memref<1x128xi32, #tpu.memory_space<vmem>> -> memref<128xi32, #tpu.memory_space<vmem>>
      %dma_wait3A_162 = arith.constant 0 : i32
      %dma_wait3A_163 = arith.constant 0 : i32
      %dma_wait3A_164 = tpu.memref_slice %arg7[%dma_wait3A_162, %dma_wait3A_163] : memref<1000x128xf32, #tpu.memory_space<vmem_shared>> -> memref<1000x128xf32, #tpu.memory_space<vmem_shared>>
      tpu.wait_indirect_dma semaphore(%arg8 : memref<!tpu.dma_semaphore, #tpu.memory_space<semaphore_mem>>) src(%dma_wait3A_164 : memref<1000x128xf32, #tpu.memory_space<vmem_shared>>) dst(%dma_wait3A_158 : memref<128x128xf32, #tpu.memory_space<vmem>>)
      %add3A_165 = arith.addi %mul3A_8, %scan3A_152 : i32
      %dma_start3A_166 = arith.constant 0 : i32
      %dma_start3A_167 = arith.constant 0 : i32
      %dma_start3A_168 = tpu.memref_slice %arg6[%rem3A_154, %dma_start3A_166, %dma_start3A_167] : memref<5x128x128xf32, #tpu.memory_space<vmem>> -> memref<1x128x128xf32, #tpu.memory_space<vmem>>
      %dma_start3A_169 = tpu.memref_squeeze %dma_start3A_168 : memref<1x128x128xf32, #tpu.memory_space<vmem>> -> memref<128x128xf32, #tpu.memory_space<vmem>>
      %dma_start3A_170 = arith.constant 0 : i32
      %dma_start3A_171 = arith.constant 0 : i32
      %dma_start3A_172 = tpu.memref_slice %arg4[%add3A_165, %dma_start3A_170, %dma_start3A_171] : memref<6400x128x128xf32, #tpu.memory_space<hbm>> -> memref<1x128x128xf32, #tpu.memory_space<hbm>>
      %dma_start3A_173 = tpu.memref_squeeze %dma_start3A_172 : memref<1x128x128xf32, #tpu.memory_space<hbm>> -> memref<128x128xf32, #tpu.memory_space<hbm>>
      %dma_start3A_174 = arith.constant 0 : i32
      %dma_start3A_175 = arith.constant 0 : i32
      %dma_start3A_176 = tpu.memref_slice %arg4[%add3A_165, %dma_start3A_174, %dma_start3A_175] : memref<6400x128x128xf32, #tpu.memory_space<hbm>> -> memref<1x128x128xf32, #tpu.memory_space<hbm>>
      %dma_start3A_177 = tpu.memref_squeeze %dma_start3A_176 : memref<1x128x128xf32, #tpu.memory_space<hbm>> -> memref<128x128xf32, #tpu.memory_space<hbm>>
      %dma_start3A_178 = arith.constant 0 : i32
      %dma_start3A_179 = arith.constant 0 : i32
      %dma_start3A_180 = tpu.memref_slice %arg6[%rem3A_154, %dma_start3A_178, %dma_start3A_179] : memref<5x128x128xf32, #tpu.memory_space<vmem>> -> memref<1x128x128xf32, #tpu.memory_space<vmem>>
      %dma_start3A_181 = tpu.memref_squeeze %dma_start3A_180 : memref<1x128x128xf32, #tpu.memory_space<vmem>> -> memref<128x128xf32, #tpu.memory_space<vmem>>
      tpu.enqueue_dma source(%dma_start3A_181 : memref<128x128xf32, #tpu.memory_space<vmem>>) target(%dma_start3A_177 : memref<128x128xf32, #tpu.memory_space<hbm>>) target_semaphore(%arg9 : memref<!tpu.dma_semaphore, #tpu.memory_space<semaphore_mem>>)
      %add3A_182 = arith.constant 3 : i32
      %add3A_183 = arith.addi %scan3A_152, %add3A_182 : i32
      %lt3A_184 = arith.constant 200 : i32
      %lt3A_185 = arith.cmpi slt, %add3A_183, %lt3A_184 : i32
      %convert_element_type3A_186 = arith.extui %lt3A_185 : i1 to i32
      %cond3A_187 = arith.constant 0 : i32
      %cond3A_188 = arith.cmpi ne, %convert_element_type3A_186, %cond3A_187 : i32
      scf.if %cond3A_188 {
        %ge3A = arith.constant 2 : i32
        %ge3A_189 = arith.cmpi sge, %scan3A_152, %ge3A : i32
        %convert_element_type3A_190 = arith.extui %ge3A_189 : i1 to i32
        %cond3A_191 = arith.constant 0 : i32
        %cond3A_192 = arith.cmpi ne, %convert_element_type3A_190, %cond3A_191 : i32
        scf.if %cond3A_192 {
          %sub3A = arith.constant 2 : i32
          %sub3A_209 = arith.subi %scan3A_152, %sub3A : i32
          %add3A_210 = arith.constant 3 : i32
          %add3A_211 = arith.addi %scan3A_152, %add3A_210 : i32
          %rem3A_212 = arith.constant 5 : i32
          %rem3A_213 = arith.remsi %add3A_211, %rem3A_212 : i32
          %add3A_214 = arith.addi %mul3A_8, %sub3A_209 : i32
          %dma_wait3A_215 = arith.constant 0 : i32
          %dma_wait3A_216 = arith.constant 0 : i32
          %dma_wait3A_217 = tpu.memref_slice %arg6[%rem3A_213, %dma_wait3A_215, %dma_wait3A_216] : memref<5x128x128xf32, #tpu.memory_space<vmem>> -> memref<1x128x128xf32, #tpu.memory_space<vmem>>
          %dma_wait3A_218 = tpu.memref_squeeze %dma_wait3A_217 : memref<1x128x128xf32, #tpu.memory_space<vmem>> -> memref<128x128xf32, #tpu.memory_space<vmem>>
          %dma_wait3A_219 = arith.constant 0 : i32
          %dma_wait3A_220 = arith.constant 0 : i32
          %dma_wait3A_221 = tpu.memref_slice %arg4[%add3A_214, %dma_wait3A_219, %dma_wait3A_220] : memref<6400x128x128xf32, #tpu.memory_space<hbm>> -> memref<1x128x128xf32, #tpu.memory_space<hbm>>
          %dma_wait3A_222 = tpu.memref_squeeze %dma_wait3A_221 : memref<1x128x128xf32, #tpu.memory_space<hbm>> -> memref<128x128xf32, #tpu.memory_space<hbm>>
          %dma_wait3A_223 = arith.constant 0 : i32
          %dma_wait3A_224 = arith.constant 0 : i32
          %dma_wait3A_225 = tpu.memref_slice %arg4[%add3A_214, %dma_wait3A_223, %dma_wait3A_224] : memref<6400x128x128xf32, #tpu.memory_space<hbm>> -> memref<1x128x128xf32, #tpu.memory_space<hbm>>
          %dma_wait3A_226 = tpu.memref_squeeze %dma_wait3A_225 : memref<1x128x128xf32, #tpu.memory_space<hbm>> -> memref<128x128xf32, #tpu.memory_space<hbm>>
          %dma_wait3A_227 = arith.constant 0 : i32
          %dma_wait3A_228 = arith.constant 0 : i32
          %dma_wait3A_229 = tpu.memref_slice %arg6[%rem3A_213, %dma_wait3A_227, %dma_wait3A_228] : memref<5x128x128xf32, #tpu.memory_space<vmem>> -> memref<1x128x128xf32, #tpu.memory_space<vmem>>
          %dma_wait3A_230 = tpu.memref_squeeze %dma_wait3A_229 : memref<1x128x128xf32, #tpu.memory_space<vmem>> -> memref<128x128xf32, #tpu.memory_space<vmem>>
          tpu.wait_dma2 semaphore(%arg9 : memref<!tpu.dma_semaphore, #tpu.memory_space<semaphore_mem>>) src(%dma_wait3A_230 : memref<128x128xf32, #tpu.memory_space<vmem>>) dst(%dma_wait3A_226 : memref<128x128xf32, #tpu.memory_space<hbm>>)
        } else {
        }
        %add3A_193 = arith.constant 3 : i32
        %add3A_194 = arith.addi %scan3A_152, %add3A_193 : i32
        %add3A_195 = arith.constant 3 : i32
        %add3A_196 = arith.addi %scan3A_152, %add3A_195 : i32
        %rem3A_197 = arith.constant 5 : i32
        %rem3A_198 = arith.remsi %add3A_196, %rem3A_197 : i32
        %dma_start3A_199 = arith.constant 0 : i32
        %dma_start3A_200 = arith.constant 0 : i32
        %dma_start3A_201 = tpu.memref_slice %arg6[%rem3A_198, %dma_start3A_199, %dma_start3A_200] : memref<5x128x128xf32, #tpu.memory_space<vmem>> -> memref<1x128x128xf32, #tpu.memory_space<vmem>>
        %dma_start3A_202 = tpu.memref_squeeze %dma_start3A_201 : memref<1x128x128xf32, #tpu.memory_space<vmem>> -> memref<128x128xf32, #tpu.memory_space<vmem>>
        %dma_start3A_203 = arith.constant 0 : i32
        %dma_start3A_204 = tpu.memref_slice %arg5[%add3A_194, %dma_start3A_203] : memref<200x128xi32, #tpu.memory_space<vmem>> -> memref<1x128xi32, #tpu.memory_space<vmem>>
        %dma_start3A_205 = tpu.memref_squeeze %dma_start3A_204 : memref<1x128xi32, #tpu.memory_space<vmem>> -> memref<128xi32, #tpu.memory_space<vmem>>
        %dma_start3A_206 = arith.constant 0 : i32
        %dma_start3A_207 = arith.constant 0 : i32
        %dma_start3A_208 = tpu.memref_slice %arg7[%dma_start3A_206, %dma_start3A_207] : memref<1000x128xf32, #tpu.memory_space<vmem_shared>> -> memref<1000x128xf32, #tpu.memory_space<vmem_shared>>
        tpu.enqueue_indirect_dma source(%dma_start3A_208 : memref<1000x128xf32, #tpu.memory_space<vmem_shared>>) target(%dma_start3A_202 : memref<128x128xf32, #tpu.memory_space<vmem>>) offsets(%dma_start3A_205 : memref<128xi32, #tpu.memory_space<vmem>>) semaphore(%arg8 : memref<!tpu.dma_semaphore, #tpu.memory_space<semaphore_mem>>)
      } else {
      }
    }
    %scan3A_48 = arith.constant 200 : i32
    %rem3A = arith.constant 195 : i32
    %rem3A_49 = arith.constant 5 : i32
    %rem3A_50 = arith.remsi %rem3A, %rem3A_49 : i32
    %add3A_51 = arith.constant 195 : i32
    %add3A_52 = arith.addi %mul3A_8, %add3A_51 : i32
    %dma_wait3A = arith.constant 0 : i32
    %dma_wait3A_53 = arith.constant 0 : i32
    %dma_wait3A_54 = tpu.memref_slice %arg6[%rem3A_50, %dma_wait3A, %dma_wait3A_53] : memref<5x128x128xf32, #tpu.memory_space<vmem>> -> memref<1x128x128xf32, #tpu.memory_space<vmem>>
    %dma_wait3A_55 = tpu.memref_squeeze %dma_wait3A_54 : memref<1x128x128xf32, #tpu.memory_space<vmem>> -> memref<128x128xf32, #tpu.memory_space<vmem>>
    %dma_wait3A_56 = arith.constant 0 : i32
    %dma_wait3A_57 = arith.constant 0 : i32
    %dma_wait3A_58 = tpu.memref_slice %arg4[%add3A_52, %dma_wait3A_56, %dma_wait3A_57] : memref<6400x128x128xf32, #tpu.memory_space<hbm>> -> memref<1x128x128xf32, #tpu.memory_space<hbm>>
    %dma_wait3A_59 = tpu.memref_squeeze %dma_wait3A_58 : memref<1x128x128xf32, #tpu.memory_space<hbm>> -> memref<128x128xf32, #tpu.memory_space<hbm>>
    %dma_wait3A_60 = arith.constant 0 : i32
    %dma_wait3A_61 = arith.constant 0 : i32
    %dma_wait3A_62 = tpu.memref_slice %arg4[%add3A_52, %dma_wait3A_60, %dma_wait3A_61] : memref<6400x128x128xf32, #tpu.memory_space<hbm>> -> memref<1x128x128xf32, #tpu.memory_space<hbm>>
    %dma_wait3A_63 = tpu.memref_squeeze %dma_wait3A_62 : memref<1x128x128xf32, #tpu.memory_space<hbm>> -> memref<128x128xf32, #tpu.memory_space<hbm>>
    %dma_wait3A_64 = arith.constant 0 : i32
    %dma_wait3A_65 = arith.constant 0 : i32
    %dma_wait3A_66 = tpu.memref_slice %arg6[%rem3A_50, %dma_wait3A_64, %dma_wait3A_65] : memref<5x128x128xf32, #tpu.memory_space<vmem>> -> memref<1x128x128xf32, #tpu.memory_space<vmem>>
    %dma_wait3A_67 = tpu.memref_squeeze %dma_wait3A_66 : memref<1x128x128xf32, #tpu.memory_space<vmem>> -> memref<128x128xf32, #tpu.memory_space<vmem>>
    tpu.wait_dma2 semaphore(%arg9 : memref<!tpu.dma_semaphore, #tpu.memory_space<semaphore_mem>>) src(%dma_wait3A_67 : memref<128x128xf32, #tpu.memory_space<vmem>>) dst(%dma_wait3A_63 : memref<128x128xf32, #tpu.memory_space<hbm>>)
    %rem3A_68 = arith.constant 196 : i32
    %rem3A_69 = arith.constant 5 : i32
    %rem3A_70 = arith.remsi %rem3A_68, %rem3A_69 : i32
    %add3A_71 = arith.constant 196 : i32
    %add3A_72 = arith.addi %mul3A_8, %add3A_71 : i32
    %dma_wait3A_73 = arith.constant 0 : i32
    %dma_wait3A_74 = arith.constant 0 : i32
    %dma_wait3A_75 = tpu.memref_slice %arg6[%rem3A_70, %dma_wait3A_73, %dma_wait3A_74] : memref<5x128x128xf32, #tpu.memory_space<vmem>> -> memref<1x128x128xf32, #tpu.memory_space<vmem>>
    %dma_wait3A_76 = tpu.memref_squeeze %dma_wait3A_75 : memref<1x128x128xf32, #tpu.memory_space<vmem>> -> memref<128x128xf32, #tpu.memory_space<vmem>>
    %dma_wait3A_77 = arith.constant 0 : i32
    %dma_wait3A_78 = arith.constant 0 : i32
    %dma_wait3A_79 = tpu.memref_slice %arg4[%add3A_72, %dma_wait3A_77, %dma_wait3A_78] : memref<6400x128x128xf32, #tpu.memory_space<hbm>> -> memref<1x128x128xf32, #tpu.memory_space<hbm>>
    %dma_wait3A_80 = tpu.memref_squeeze %dma_wait3A_79 : memref<1x128x128xf32, #tpu.memory_space<hbm>> -> memref<128x128xf32, #tpu.memory_space<hbm>>
    %dma_wait3A_81 = arith.constant 0 : i32
    %dma_wait3A_82 = arith.constant 0 : i32
    %dma_wait3A_83 = tpu.memref_slice %arg4[%add3A_72, %dma_wait3A_81, %dma_wait3A_82] : memref<6400x128x128xf32, #tpu.memory_space<hbm>> -> memref<1x128x128xf32, #tpu.memory_space<hbm>>
    %dma_wait3A_84 = tpu.memref_squeeze %dma_wait3A_83 : memref<1x128x128xf32, #tpu.memory_space<hbm>> -> memref<128x128xf32, #tpu.memory_space<hbm>>
    %dma_wait3A_85 = arith.constant 0 : i32
    %dma_wait3A_86 = arith.constant 0 : i32
    %dma_wait3A_87 = tpu.memref_slice %arg6[%rem3A_70, %dma_wait3A_85, %dma_wait3A_86] : memref<5x128x128xf32, #tpu.memory_space<vmem>> -> memref<1x128x128xf32, #tpu.memory_space<vmem>>
    %dma_wait3A_88 = tpu.memref_squeeze %dma_wait3A_87 : memref<1x128x128xf32, #tpu.memory_space<vmem>> -> memref<128x128xf32, #tpu.memory_space<vmem>>
    tpu.wait_dma2 semaphore(%arg9 : memref<!tpu.dma_semaphore, #tpu.memory_space<semaphore_mem>>) src(%dma_wait3A_88 : memref<128x128xf32, #tpu.memory_space<vmem>>) dst(%dma_wait3A_84 : memref<128x128xf32, #tpu.memory_space<hbm>>)
    %rem3A_89 = arith.constant 197 : i32
    %rem3A_90 = arith.constant 5 : i32
    %rem3A_91 = arith.remsi %rem3A_89, %rem3A_90 : i32
    %add3A_92 = arith.constant 197 : i32
    %add3A_93 = arith.addi %mul3A_8, %add3A_92 : i32
    %dma_wait3A_94 = arith.constant 0 : i32
    %dma_wait3A_95 = arith.constant 0 : i32
    %dma_wait3A_96 = tpu.memref_slice %arg6[%rem3A_91, %dma_wait3A_94, %dma_wait3A_95] : memref<5x128x128xf32, #tpu.memory_space<vmem>> -> memref<1x128x128xf32, #tpu.memory_space<vmem>>
    %dma_wait3A_97 = tpu.memref_squeeze %dma_wait3A_96 : memref<1x128x128xf32, #tpu.memory_space<vmem>> -> memref<128x128xf32, #tpu.memory_space<vmem>>
    %dma_wait3A_98 = arith.constant 0 : i32
    %dma_wait3A_99 = arith.constant 0 : i32
    %dma_wait3A_100 = tpu.memref_slice %arg4[%add3A_93, %dma_wait3A_98, %dma_wait3A_99] : memref<6400x128x128xf32, #tpu.memory_space<hbm>> -> memref<1x128x128xf32, #tpu.memory_space<hbm>>
    %dma_wait3A_101 = tpu.memref_squeeze %dma_wait3A_100 : memref<1x128x128xf32, #tpu.memory_space<hbm>> -> memref<128x128xf32, #tpu.memory_space<hbm>>
    %dma_wait3A_102 = arith.constant 0 : i32
    %dma_wait3A_103 = arith.constant 0 : i32
    %dma_wait3A_104 = tpu.memref_slice %arg4[%add3A_93, %dma_wait3A_102, %dma_wait3A_103] : memref<6400x128x128xf32, #tpu.memory_space<hbm>> -> memref<1x128x128xf32, #tpu.memory_space<hbm>>
    %dma_wait3A_105 = tpu.memref_squeeze %dma_wait3A_104 : memref<1x128x128xf32, #tpu.memory_space<hbm>> -> memref<128x128xf32, #tpu.memory_space<hbm>>
    %dma_wait3A_106 = arith.constant 0 : i32
    %dma_wait3A_107 = arith.constant 0 : i32
    %dma_wait3A_108 = tpu.memref_slice %arg6[%rem3A_91, %dma_wait3A_106, %dma_wait3A_107] : memref<5x128x128xf32, #tpu.memory_space<vmem>> -> memref<1x128x128xf32, #tpu.memory_space<vmem>>
    %dma_wait3A_109 = tpu.memref_squeeze %dma_wait3A_108 : memref<1x128x128xf32, #tpu.memory_space<vmem>> -> memref<128x128xf32, #tpu.memory_space<vmem>>
    tpu.wait_dma2 semaphore(%arg9 : memref<!tpu.dma_semaphore, #tpu.memory_space<semaphore_mem>>) src(%dma_wait3A_109 : memref<128x128xf32, #tpu.memory_space<vmem>>) dst(%dma_wait3A_105 : memref<128x128xf32, #tpu.memory_space<hbm>>)
    %rem3A_110 = arith.constant 198 : i32
    %rem3A_111 = arith.constant 5 : i32
    %rem3A_112 = arith.remsi %rem3A_110, %rem3A_111 : i32
    %add3A_113 = arith.constant 198 : i32
    %add3A_114 = arith.addi %mul3A_8, %add3A_113 : i32
    %dma_wait3A_115 = arith.constant 0 : i32
    %dma_wait3A_116 = arith.constant 0 : i32
    %dma_wait3A_117 = tpu.memref_slice %arg6[%rem3A_112, %dma_wait3A_115, %dma_wait3A_116] : memref<5x128x128xf32, #tpu.memory_space<vmem>> -> memref<1x128x128xf32, #tpu.memory_space<vmem>>
    %dma_wait3A_118 = tpu.memref_squeeze %dma_wait3A_117 : memref<1x128x128xf32, #tpu.memory_space<vmem>> -> memref<128x128xf32, #tpu.memory_space<vmem>>
    %dma_wait3A_119 = arith.constant 0 : i32
    %dma_wait3A_120 = arith.constant 0 : i32
    %dma_wait3A_121 = tpu.memref_slice %arg4[%add3A_114, %dma_wait3A_119, %dma_wait3A_120] : memref<6400x128x128xf32, #tpu.memory_space<hbm>> -> memref<1x128x128xf32, #tpu.memory_space<hbm>>
    %dma_wait3A_122 = tpu.memref_squeeze %dma_wait3A_121 : memref<1x128x128xf32, #tpu.memory_space<hbm>> -> memref<128x128xf32, #tpu.memory_space<hbm>>
    %dma_wait3A_123 = arith.constant 0 : i32
    %dma_wait3A_124 = arith.constant 0 : i32
    %dma_wait3A_125 = tpu.memref_slice %arg4[%add3A_114, %dma_wait3A_123, %dma_wait3A_124] : memref<6400x128x128xf32, #tpu.memory_space<hbm>> -> memref<1x128x128xf32, #tpu.memory_space<hbm>>
    %dma_wait3A_126 = tpu.memref_squeeze %dma_wait3A_125 : memref<1x128x128xf32, #tpu.memory_space<hbm>> -> memref<128x128xf32, #tpu.memory_space<hbm>>
    %dma_wait3A_127 = arith.constant 0 : i32
    %dma_wait3A_128 = arith.constant 0 : i32
    %dma_wait3A_129 = tpu.memref_slice %arg6[%rem3A_112, %dma_wait3A_127, %dma_wait3A_128] : memref<5x128x128xf32, #tpu.memory_space<vmem>> -> memref<1x128x128xf32, #tpu.memory_space<vmem>>
    %dma_wait3A_130 = tpu.memref_squeeze %dma_wait3A_129 : memref<1x128x128xf32, #tpu.memory_space<vmem>> -> memref<128x128xf32, #tpu.memory_space<vmem>>
    tpu.wait_dma2 semaphore(%arg9 : memref<!tpu.dma_semaphore, #tpu.memory_space<semaphore_mem>>) src(%dma_wait3A_130 : memref<128x128xf32, #tpu.memory_space<vmem>>) dst(%dma_wait3A_126 : memref<128x128xf32, #tpu.memory_space<hbm>>)
    %rem3A_131 = arith.constant 199 : i32
    %rem3A_132 = arith.constant 5 : i32
    %rem3A_133 = arith.remsi %rem3A_131, %rem3A_132 : i32
    %add3A_134 = arith.constant 199 : i32
    %add3A_135 = arith.addi %mul3A_8, %add3A_134 : i32
    %dma_wait3A_136 = arith.constant 0 : i32
    %dma_wait3A_137 = arith.constant 0 : i32
    %dma_wait3A_138 = tpu.memref_slice %arg6[%rem3A_133, %dma_wait3A_136, %dma_wait3A_137] : memref<5x128x128xf32, #tpu.memory_space<vmem>> -> memref<1x128x128xf32, #tpu.memory_space<vmem>>
    %dma_wait3A_139 = tpu.memref_squeeze %dma_wait3A_138 : memref<1x128x128xf32, #tpu.memory_space<vmem>> -> memref<128x128xf32, #tpu.memory_space<vmem>>
    %dma_wait3A_140 = arith.constant 0 : i32
    %dma_wait3A_141 = arith.constant 0 : i32
    %dma_wait3A_142 = tpu.memref_slice %arg4[%add3A_135, %dma_wait3A_140, %dma_wait3A_141] : memref<6400x128x128xf32, #tpu.memory_space<hbm>> -> memref<1x128x128xf32, #tpu.memory_space<hbm>>
    %dma_wait3A_143 = tpu.memref_squeeze %dma_wait3A_142 : memref<1x128x128xf32, #tpu.memory_space<hbm>> -> memref<128x128xf32, #tpu.memory_space<hbm>>
    %dma_wait3A_144 = arith.constant 0 : i32
    %dma_wait3A_145 = arith.constant 0 : i32
    %dma_wait3A_146 = tpu.memref_slice %arg4[%add3A_135, %dma_wait3A_144, %dma_wait3A_145] : memref<6400x128x128xf32, #tpu.memory_space<hbm>> -> memref<1x128x128xf32, #tpu.memory_space<hbm>>
    %dma_wait3A_147 = tpu.memref_squeeze %dma_wait3A_146 : memref<1x128x128xf32, #tpu.memory_space<hbm>> -> memref<128x128xf32, #tpu.memory_space<hbm>>
    %dma_wait3A_148 = arith.constant 0 : i32
    %dma_wait3A_149 = arith.constant 0 : i32
    %dma_wait3A_150 = tpu.memref_slice %arg6[%rem3A_133, %dma_wait3A_148, %dma_wait3A_149] : memref<5x128x128xf32, #tpu.memory_space<vmem>> -> memref<1x128x128xf32, #tpu.memory_space<vmem>>
    %dma_wait3A_151 = tpu.memref_squeeze %dma_wait3A_150 : memref<1x128x128xf32, #tpu.memory_space<vmem>> -> memref<128x128xf32, #tpu.memory_space<vmem>>
    tpu.wait_dma2 semaphore(%arg9 : memref<!tpu.dma_semaphore, #tpu.memory_space<semaphore_mem>>) src(%dma_wait3A_151 : memref<128x128xf32, #tpu.memory_space<vmem>>) dst(%dma_wait3A_147 : memref<128x128xf32, #tpu.memory_space<hbm>>)
    return
  }
}

module attributes {stable_mosaic.version = 14 : i64} {
  func.func @_matmul_body(%arg0: memref<1000x1024xf32, #tpu.memory_space<vmem>>, %arg1: memref<1024x128xf32, #tpu.memory_space<vmem>>, %arg2: memref<1000x128xf32, #tpu.memory_space<vmem>>) attributes {dimension_semantics = [], scalar_prefetch = 0 : i64, scratch_operands = 0 : i64, tpu.core_type = #tpu.core_type<tc>} {
    %get3A = arith.constant 0 : index
    %get3A_0 = arith.constant 0 : index
    %get3A_1 = vector.load %arg0[%get3A, %get3A_0] : memref<1000x1024xf32, #tpu.memory_space<vmem>>, vector<1000x1024xf32>
    %get3A_2 = arith.constant 0 : index
    %get3A_3 = arith.constant 0 : index
    %get3A_4 = vector.load %arg1[%get3A_2, %get3A_3] : memref<1024x128xf32, #tpu.memory_space<vmem>>, vector<1024x128xf32>
    %dot_general3A = arith.constant dense<0.000000e+00> : vector<1000x128xf32>
    %dot_general3A_5 = tpu.matmul %get3A_1, %get3A_4, %dot_general3A {dimension_numbers = #tpu.dot_dimension_numbers<[1], [0], [0], [1], [0, 0, 1, 1], [], []>, transpose_lhs_hint = false} : vector<1000x1024xf32>, vector<1024x128xf32>, vector<1000x128xf32> -> vector<1000x128xf32>
    %swap3A = arith.constant 0 : index
    %swap3A_6 = arith.constant 0 : index
    %swap3A_7 = vector.load %arg2[%swap3A, %swap3A_6] : memref<1000x128xf32, #tpu.memory_space<vmem>>, vector<1000x128xf32>
    tpu.vector_store %arg2[%swap3A, %swap3A_6], %dot_general3A_5 {strides = array<i32>} : memref<1000x128xf32, #tpu.memory_space<vmem>>, vector<1000x128xf32>,
    return
  }
}

</mosaic_0001>

<sc_bundles>
// kernel: kernel.4.cloned.1.call-start
scs
__scs_entry_jumppad:
0x0: {  	(pc) =	sbr.rel $0x88, $3  }
0x1: {  	(tag) =	ssettag $0x0;
	lr =	simm.s32 $0x1  }
0x2: {  	[smem:$0x3F9E] =	sst lr;
	_ =	strace $0xD0000000  }
0x3: {  	_ = 	snop  }
0x4: {  	_ = 	snop  }
0x5: {  	_ = 	snop  }
0x6: {  	_ = 	snop  }
0x7: {  	_ = 	snop  }
__scs_overlays_trampoline_lowered:
0x8: {  	[smem:$0x3FAD] =	sst s0  }
0x9: {  	[smem:$0x3FAE] =	sst s1  }
0xa: {  	[smem:$0x3FAF] =	sst s2  }
0xb: {  	[smem:$0x3FB0] =	sst s3  }
0xc: {  	[smem:$0x3FB1] =	sst s4  }
0xd: {  	[smem:$0x3FB2] =	sst s5  }
0xe: {  	[smem:$0x3FB3] =	sst s6  }
0xf: {  	[smem:$0x3FB4] =	sst s7  }
0x10: {  	[smem:$0x3FB5] =	sst s8  }
0x11: {  	[smem:$0x3FB6] =	sst s9;
	s0 =	simm.s32 @!p0 $0x0  }
0x12: {  	s1 =	sld [smem:$0x3F9C];
	s0 =	simm.s32 @p0 $0x1  }
0x13: {  	[smem:$0x3FB7] =	sst s0;
	s0 =	simm.s32 @!p1 $0x0  }
0x14: {  	s2 =	sld [smem:$0x3F9B];
	s0 =	simm.s32 @p1 $0x1  }
0x15: {  	[smem:$0x3FB8] =	sst s0;
	s0 =	simm.s32 @!p2 $0x0  }
0x16: {  	s3 =	sld [smem:$0x3FDB];
	s0 =	simm.s32 @p2 $0x1  }
0x17: {  	s4 =	simm.s32 $0x1BF5;
	[smem:$0x3FBA] =	sst s0  }
0x18: {  	s0 =	sld [smem:$0x3F9D];
	_ =	swait.ge [sflag:s4], $0x0  }
0x19: {  	s7 =	sld [smem:$0x3F9E]  }
0x1a: {  	s8 =	sadd.s32 $0xFFFFE003, lr  }
0x1b: {  	s9 =	sadd.s32 $0xFFFFFEF7, lr;
	s5 =	simm.s32 $0xFFFFFFFF;
	p2 =	slt.u32 s8, $0xFFFFF086  }
0x1c: {  	p1 =	slt.u32 s9, $0xF7A;
	s5 =	simm.s32 @!p2 $0x0  }
0x1d: {  	s5 =	simm.s32 @p1 $0x1;
	p0 =	seq.s32 s7, s2  }
0x1e: {  	s7 =	smul.u32 @!p0 $0xF7A, s2;
	p2 =	seq.s32 @!p0 s5, $0x0  }
0x1f: {  	s9 =	smul.u32 $0xF7A, s1;
	s8 =	simm.s32 @!p0 $0x1BF5;
	p2 =	por !p2, p0  }
0x20: {  	[sflag:s8] =	ssyncset.s32 @!p0 $0xFFFFF086;
	s6 =	sadd.s32 @!p0 s3, s7;
	s7 =	simm.s32 @!p0 $0x108  }
0x21: {  	s3 =	sadd.s32 s3, s9;
	s6 =	sadd.s32 @!p0 $0x88, s6;
	s7 =	simm.s32 @p2 $0x1082  }
0x22: {  	[simem:s7], [sflag:s8] =	dma.local @!p0 [hbm:s6], $0xF7A  }
0x23: {  	s9 =	sor.u32 $0xD0000000, s2;
	s6 =	simm.s32 $0x108;
	_ =	swait.ge @!p0 [sflag:s8], $0x0  }
0x24: {  	s3 =	sadd.s32 $0x88, s3;
	s6 =	simm.s32 @!p1 $0x1082;
	[sflag:s4] =	ssyncset.s32 $0xFFFFF086  }
0x25: {  	[simem:s6], [sflag:s4] =	dma.local [hbm:s3], $0xF7A  }
0x26: {  	[smem:$0x3F9E] =	sst s1;
	(tag) =	ssettag s2;
	_ =	strace s9  }
0x27: {  	s1 =	sld [smem:$0x3FAE]  }
0x28: {  	s2 =	sld [smem:$0x3FAF]  }
0x29: {  	s4 =	sld [smem:$0x3FB1]  }
0x2a: {  	p0 =	seq.s32 s5, $0x0;
	s5 =	sld [smem:$0x3FB2]  }
0x2b: {  	s6 =	sld [smem:$0x3FB3]  }
0x2c: {  	s7 =	sld [smem:$0x3FB4]  }
0x2d: {  	s3 =	simm.s32 $0x108;
	s8 =	sld [smem:$0x3FB5]  }
0x2e: {  	s3 =	simm.s32 @!p0 $0x1082;
	s9 =	sld [smem:$0x3FB6]  }
0x2f: {  	lr =	sadd.s32 s0, s3;
	s0 =	sld [smem:$0x3FAD]  }
0x30: {  	s3 =	sld [smem:$0x3FB0]  }
0x31: {  	[smem:$0x3FB9] =	sst s10  }
0x32: {  	s10 =	sld [smem:$0x3FB7];
	_ =	sdelay $0x3  }
0x33: {  	p0 =	seq.s32 s10, $0x1;
	s10 =	sld [smem:$0x3FB9];
	_ =	sdelay $0x3  }
0x34: {  	[smem:$0x3FB9] =	sst s10  }
0x35: {  	s10 =	sld [smem:$0x3FB8];
	_ =	sdelay $0x3  }
0x36: {  	p1 =	seq.s32 s10, $0x1;
	s10 =	sld [smem:$0x3FB9];
	_ =	sdelay $0x3  }
0x37: {  	[smem:$0x3FB9] =	sst s10  }
0x38: {  	s10 =	sld [smem:$0x3FBA]  }
0x39: {  	_ = 	snop;
	(pc) =	sbr.ind lr, $3  }
0x3a: {  	_ = 	snop  }
0x3b: {  	_ = 	snop  }
0x3c: {  	p2 =	seq.s32 s10, $0x1;
	s10 =	sld [smem:$0x3FB9]  }
0x3d: {  	_ =	shalt  }
0x3e: {  	_ =	shalt  }
0x3f: {  	_ =	shalt  }
0x40: {  	_ =	shalt  }
0x41: {  	_ =	shalt  }
0x42: {  	_ =	shalt  }
0x43: {  	_ =	shalt  }
0x44: {  	_ =	shalt  }
0x45: {  	_ =	shalt  }
0x46: {  	_ =	shalt  }
0x47: {  	_ =	shalt  }
0x48: {  	_ =	shalt  }
0x49: {  	_ =	shalt  }
0x4a: {  	_ =	shalt  }
0x4b: {  	_ =	shalt  }
0x4c: {  	_ =	shalt  }
0x4d: {  	_ =	shalt  }
0x4e: {  	_ =	shalt  }
0x4f: {  	_ =	shalt  }
0x50: {  	_ =	shalt  }
0x51: {  	_ =	shalt  }
0x52: {  	_ =	shalt  }
0x53: {  	_ =	shalt  }
0x54: {  	_ =	shalt  }
0x55: {  	_ =	shalt  }
0x56: {  	_ =	shalt  }
0x57: {  	_ =	shalt  }
0x58: {  	_ =	shalt  }
0x59: {  	_ =	shalt  }
0x5a: {  	_ =	shalt  }
0x5b: {  	_ =	shalt  }
0x5c: {  	_ =	shalt  }
0x5d: {  	_ =	shalt  }
0x5e: {  	_ =	shalt  }
0x5f: {  	_ =	shalt  }
0x60: {  	_ =	shalt  }
0x61: {  	_ =	shalt  }
0x62: {  	_ =	shalt  }
0x63: {  	_ =	shalt  }
0x64: {  	_ =	shalt  }
0x65: {  	_ =	shalt  }
0x66: {  	_ =	shalt  }
0x67: {  	_ =	shalt  }
0x68: {  	_ =	shalt  }
0x69: {  	_ =	shalt  }
0x6a: {  	_ =	shalt  }
0x6b: {  	_ =	shalt  }
0x6c: {  	_ =	shalt  }
0x6d: {  	_ =	shalt  }
0x6e: {  	_ =	shalt  }
0x6f: {  	_ =	shalt  }
0x70: {  	_ =	shalt  }
0x71: {  	_ =	shalt  }
0x72: {  	_ =	shalt  }
0x73: {  	_ =	shalt  }
0x74: {  	_ =	shalt  }
0x75: {  	_ =	shalt  }
0x76: {  	_ =	shalt  }
0x77: {  	_ =	shalt  }
0x78: {  	_ =	shalt  }
0x79: {  	_ =	shalt  }
0x7a: {  	_ =	shalt  }
0x7b: {  	_ =	shalt  }
0x7c: {  	_ =	shalt  }
0x7d: {  	_ =	shalt  }
0x7e: {  	_ =	shalt  }
0x7f: {  	_ =	shalt  }
0x80: {  	_ =	shalt  }
0x81: {  	_ =	shalt  }
0x82: {  	_ =	shalt  }
0x83: {  	_ =	shalt  }
0x84: {  	_ =	shalt  }
0x85: {  	_ =	shalt  }
0x86: {  	_ =	shalt  }
0x87: {  	_ =	shalt  }
.Lfunc_end0:
.L_simem_size_0:
called_computation_lowered:
.L_overlay_start_0:
0x88: {  	s2 =	sld [smem:$0x3FD9]  }
0x89: {  	s3 =	sld [smem:$0x3FFE];
	_ =	sdelay $0x1  }
0x8a: {  	s1 =	srdreg.scid  }
0x8b: {  	s0 =	sand.u32 $0x1, s1  }
0x8c: {  	s17 =	sshll.u32 s0, $0xA;
	s2 =	sadd.s32 s3, s2  }
0x8d: {  	s2 =	sadd.s32 s2, s17  }
0x8e: {  	[smem:$0x3FC5] =	sst s2  }
0x8f: {  	_ = 	snop  }
0x90: {  	s2 =	sld [smem:$0x3FD0];
	(tm) =	ssettm $0x1  }
0x91: {  	s18 =	sld [smem:$0x3FFB];
	_ =	sdelay $0x3  }
0x92: {  	_ =	strace s18  }
0x93: {  	s3 =	sld [smem:$0x3FFC];
	_ =	sdelay $0x3  }
0x94: {  	_ =	strace s3  }
0x95: {  	s3 =	sld [smem:$0x3FFD];
	_ =	sdelay $0x3  }
0x96: {  	_ =	strace s3  }
0x97: {  	_ =	strace $0x8FFFFFFF  }
0x98: {  	s19 =	sld [smem:$0x3FDB];
	_ =	sdelay $0x1  }
0x99: {  	s4 =	simm.s32 $_scs_section_size  }
0x9a: {  	s5 =	simm.s32 $_size__tile_overlayer_lowered;
	s6 =	simm.s32 $_tile_overlayer_lowered  }
0x9b: {  	s22 =	simm.s32 $0x1BFF;
	s21 =	sshll.u32 s6, $0x1;
	s3 =	sadd.s32 s4, s19  }
0x9c: {  	s7 =	simm.s32 $0x0;
	s20 =	sshll.u32 s5, $0x1;
	s5 =	sadd.s32 s21, s3  }
0x9d: {  	[timem:s7], [sflag:s22] =	dma.local [hbm:s5], s20  }
0x9e: {  	_ =	swait.ge [sflag:s22], s20  }
0x9f: {  	s4 =	ssub.s32 $0x0, s20;
	[sflag:s22] =	ssyncset.done $0x0  }
0xa0: {  	[sflag:s22] =	ssyncadd.s32 s4;
	_ =	sdelay $0x1  }
0xa1: {  	s23 =	simm.s32 $0x1B8B  }
0xa2: {  	_ =	swait.ge [sflag:s23], $0x1  }
0xa3: {  	[sflag:s23] =	ssyncset.done $0x0  }
0xa4: {  	s25 =	simm.s32 $0x1B8E;
	s24 =	sld [smem:$0x3FFE];
	[sflag:s23] =	ssyncadd.s32 $0xFFFFFFFF  }
0xa5: {  	s26 =	simm.s32 $execute0_lowered;
	[smem:$0x3FD2] =	sst s25  }
0xa6: {  	s5 =	sshll.u32 s26, $0x1;
	_ =	strace $0x80000046;
	[dreg:$0x1] =	wrdreg $0xFFFFFFFF  }
0xa7: {  	s28 =	simm.s32 $_size_execute0_lowered;
	s3 =	sadd.s32 s3, s5;
	[dreg:$0x0] =	wrdreg $0x0  }
0xa8: {  	s5 =	sshll.u32 s28, $0x1;
	[dreg:$0x2] =	wrdreg s3  }
0xa9: {  	[dreg:$0x3] =	wrdreg s5  }
0xaa: {  	[dreg:$0x4] =	wrdreg $0xC0  }
0xab: {  	_ =	task [dreg:s7], $0x5FFFF  }
0xac: {  	[dreg:$0x1] =	wrdreg $0xFFFFFFFF  }
0xad: {  	[dreg:$0x0] =	wrdreg $0x60  }
0xae: {  	[dreg:$0x2] =	wrdreg s24  }
0xaf: {  	[dreg:$0x3] =	wrdreg s2  }
0xb0: {  	[dreg:$0x4] =	wrdreg $0x1A4000  }
0xb1: {  	[dreg:$0x5] =	wrdreg $0x9  }
0xb2: {  	_ =	task.clear_ibuf [dreg:s7], $0x6FFFF;
	_ =	strace $0x90000046  }
0xb3: {  	s29 =	simm.s32 $0x9;
	_ =	strace $0x80000048  }
0xb4: {  	_ =	swait.ge [sflag:s29], $0x1  }
0xb5: {  	[sflag:s29] =	ssyncadd.s32 $0xFFFFFFFF  }
0xb6: {  	_ =	strace $0x90000048  }
0xb7: {  	_ =	sfence  }
0xb8: {  	s30 =	sld [smem:$0x0];
	_ =	sdelay $0x2  }
0xb9: {  	s31 =	sshll.u32 s1, $0xD;
	s1 =	sshrl.u32 s1, $0x2  }
0xba: {  	s3 =	sand.u32 $0x4000, s31;
	s1 =	sadd.s32 s1, s30  }
0xbb: {  	s0 =	sor.u32 s3, s0;
	s1 =	sshll.u32 s1, $0x11  }
0xbc: {  	s0 =	sor.u32 s1, s0  }
0xbd: {  	s0 =	sadd.s32 $0x8F2B, s0  }
0xbe: {  	[sflag:s0] =	ssyncadd.remote.s32 $0x1  }
0xbf: {  	_ =	sfence.sel $0xFFFF  }
0xc0: {  	[dreg:$0x0] =	wrdreg $0xFFFFFFFF;
	(pc) =	sbr.abs _section_cstart, $3  }
0xc1: {  	[dreg:$0x1] =	wrdreg $0xFFFFFFFF  }
0xc2: {  	_ =	task.clear_ibuf [dreg:s7], $0x2FFFF;
	_ =	strace $0x9FFFFFFF  }
0xc3: {  	(tm) =	ssettm $0x7FFFFFFF  }
tec
execute0_lowered:
.L_overlay_start_1:
0x0: {  	(tag) =	ssettag $0x1  }
0x1: {  	s5 =	rddreg [dreg:$0x0]  }
0x2: {  	s7 =	rddreg [dreg:$0x1]  }
0x3: {  	s2 =	rddreg [dreg:$0x2];
	s1 =	stileid.u32  }
0x4: {  	s4 =	srdreg.scid;
	s3 =	simm.s32 $0x0;
	s14 =	simm.s32 $0x6400  }
0x5: {  	s15 =	simm.s32 $0xA400;
	s16 =	simm.s32 $0x100;
	s17 =	simm.s32 $0xE400  }
0x6: {  	s18 =	simm.s32 $0x1;
	s19 =	simm.s32 $0x2;
	s20 =	simm.s32 $0x0  }
0x7: {  	s6 =	sand.u32 $0x1, s4;
	s29 =	sshll.u32 s1, $0x1;
	[smem:$0x7FF] =	sst s3  }
0x8: {  	s8 =	sshll.u32 s1, $0xA;
	s30 =	sshll.u32 s1, $0xD;
	s31 =	smul.u32 $0xC8000, s1  }
0x9: {  	p0 =	seq.s32 s1, $0xF;
	s4 =	sor.u32 s6, s29;
	s9 =	ssub.s32 $0x2, s6  }
0xa: {  	_ =	strace $0x80000047;
	s8 =	sadd.s32 s8, s5;
	s4 =	smul.u32 $0xC80, s4  }
0xb: {  	s12 =	sadd.s32 s30, s2;
	s13 =	smul.u32 $0x64000, s6;
	s10 =	sshrl.u32 s9, $0x1  }
0xc: {  	s9 =	ssub.s32 s9, s10;
	s10 =	sadd.s32 $0x1E000, s2;
	s11 =	sadd.s32 s4, s5  }
0xd: {  	s4 =	sadd.s32 $0x19A00, s8;
	s5 =	sadd.s32 $0x1D600, s5;
	s8 =	sadd.s32 s31, s7  }
0xe: {  	s7 =	smax.u32 s9, $0x1;
	s9 =	sshrl.u32 @p0 s10, $0x3;
	s6 =	sadd.s32 $0xA00, s11  }
0xf: {  	s8 =	sadd.s32 s13, s8;
	s11 =	sshll.u32 @!p0 s1, $0x6;
	s13 =	simm.s32 $0x80  }
0x10: {  	s10 =	sor.u32 @!p0 $0x1C03, s11;
	s11 =	sshrl.u32 @!p0 s12, $0x3;
	s12 =	simm.s32 $0x3  }
.LBB2_1:
0x11: {  	s21 =	simm.s32 @p0 $0x1FC3  }
0x12: {  	[spmem:s9], [sflag:s21] =	dma.local @p0 [hbm:s5], $0x280  }
0x13: {  	s21 =	simm.s32 @p0 $0x3  }
0x14: {  	_ =	swait.ge @p0 [sflag:s21], $0x280  }
0x15: {  	[sflag:s21] =	ssyncset.done @p0 $0x0  }
0x16: {  	[sflag:s21] =	ssyncadd.s32 @p0 $0xFFFFFD80;
	s21 =	simm.s32 @!p0 $0x3  }
0x17: {  	[spmem:s11], [sflag:s10] =	dma.local @!p0 [hbm:s4], $0x400  }
0x18: {  	_ =	swait.ge @!p0 [sflag:s21], $0x400  }
0x19: {  	[sflag:s21] =	ssyncset.done @!p0 $0x0  }
0x1a: {  	[sflag:s21] =	ssyncadd.s32 @!p0 $0xFFFFFC00  }
0x1b: {  	[tilespmem:s3], [sflag:$0x3] =	stream.linear.gather [hbm4b:s6+s3], $0x6400, $0x38;
	[tilespmem:$0x1C340] =	vst v63  }
0x1c: {  	s22 =	smul.u32 $0xCD, s3;
	s24 =	simm.s32 $0x3;
	_ =	swait.ge [sflag:s12], $0x6400  }
0x1d: {  	p1 =	por $0x0, $0x0;
	s26 =	simm.s32 $0x180;
	[sflag:s12] =	ssyncset.done $0x0  }
0x1e: {  	s25 =	simm.s32 $0x2;
	s23 =	sshrl.u32 s22, $0xA;
	[sflag:s12] =	ssyncadd.s32 $0xFFFF9C00  }
0x1f: {  	s24 =	smul.u32 @!p1 $0xCD, s24;
	s23 =	sand.u32 $0x3F, s23;
	[bflag:$0x0] =	sbarrier.arrive $0xFFFF  }
0x20: {  	[tilespmem:s14], [sflag:$0x1] =	stream.indirect.gather [spmem:s2], $0x80, s3, s13, $0xb8;
	[tilespmem:$0x1C340] =	vst v63  }
0x21: {  	p2 =	por @!p1 $0x1, $0x1;
	s28 =	simm.s32 @!p1 $0x80;
	s23 =	smul.u32 $0x5, s23  }
0x22: {  	[tilespmem:s15], [sflag:$0x1] =	stream.indirect.gather [spmem:s2], $0x80, s13, s13, $0xb8;
	[tilespmem:$0x1C340] =	vst v63  }
0x23: {  	p2 =	por p2, p1;
	s24 =	sshrl.u32 @!p1 s24, $0xA;
	s23 =	ssub.s32 $0x0, s23  }
0x24: {  	[tilespmem:s17], [sflag:$0x1] =	stream.indirect.gather [spmem:s2], $0x80, s16, s13, $0xb8;
	[tilespmem:$0x1C340] =	vst v63  }
0x25: {  	s24 =	sand.u32 @!p1 $0x3F, s24;
	s23 =	sand.u32 $0xFF, s23;
	_ =	swait.ge [sflag:s18], $0x4000  }
0x26: {  	s24 =	smul.u32 @!p1 $0x5, s24;
	s23 =	sshll.u32 s23, $0xE;
	[sflag:s18] =	ssyncset.done $0x0  }
0x27: {  	s21 =	simm.s32 $0x1;
	s23 =	sadd.s32 $0x6400, s23;
	[sflag:s18] =	ssyncadd.s32 $0xFFFFC000  }
0x28: {  	[hbm4b:s8+s3] =	stream.linear.scatter [tilespmem:s23], [sflag:$0x2], $0x4000, $0x38;
	[tilespmem:$0x1C340] =	vst v63  }
0x29: {  	s29 =	simm.s32 @!p2 $0x2;
	s22 =	smul.u32 $0xCD, s21;
	s23 =	ssub.s32 @!p1 $0x3, s24  }
0x2a: {  	s24 =	sadd.s32 $0x800, s8;
	_ =	swait.ge @!p2 [sflag:s29], $0x4000;
	s23 =	sand.u32 @!p1 $0xFF, s23  }
0x2b: {  	[sflag:s29] =	ssyncset.done @!p2 $0x0;
	s30 =	sshll.u32 @!p1 s23, $0xE;
	s23 =	simm.s32 $0x200  }
.LBB2_2:
0x2c: {  	s31 =	smul.u32 $0xCD, s25  }
0x2d: {  	[sflag:s29] =	ssyncadd.s32 @!p2 $0xFFFFC000;
	s29 =	sadd.s32 @!p1 $0x6400, s30;
	s30 =	smov.u32 s25  }
0x2e: {  	[tilespmem:s29], [sflag:$0x1] =	stream.indirect.gather @!p1 [spmem:s2], $0x80, s26, s28, $0xb8;
	[tilespmem:$0x1C340] =	vst v63  }
0x2f: {  	s26 =	sshrl.u32 s22, $0xA  }
0x30: {  	s25 =	sadd.s32 $0x1, s25;
	s22 =	smov.u32 s31;
	s26 =	sand.u32 $0x3F, s26  }
0x31: {  	p1 =	sgt.u32 s21, $0xC4;
	s31 =	sadd.s32 $0x3, s21;
	s29 =	smul.u32 $0x5, s26  }
0x32: {  	p2 =	slt.u32 @!p1 s21, $0x2;
	s28 =	simm.s32 @!p1 $0x80;
	s0 =	smul.u32 @!p1 $0xCD, s31  }
0x33: {  	p3 =	sne.s32 s25, $0xC8;
	s26 =	smov.u32 s23;
	p2 =	por p2, p1  }
0x34: {  	s29 =	ssub.s32 s21, s29;
	s21 =	smov.u32 s30;
	s0 =	sshrl.u32 @!p1 s0, $0xA  }
0x35: {  	s29 =	sand.u32 $0xFF, s29;
	s0 =	sand.u32 @!p1 $0x3F, s0;
	_ =	swait.ge [sflag:s18], $0x4000  }
0x36: {  	s29 =	sshll.u32 s29, $0xE;
	s0 =	smul.u32 @!p1 $0x5, s0;
	[sflag:s18] =	ssyncset.done $0x0  }
.Ltmp0:
0x37: {  	s29 =	sadd.s32 $0x6400, s29;
	[sflag:s18] =	ssyncadd.s32 $0xFFFFC000;
	(pc) =	sbr.rel @p3 .LBB2_2-.Ltmp0, $4  }
0x38: {  	[hbm4b:s24+s3] =	stream.linear.scatter [tilespmem:s29], [sflag:$0x2], $0x4000, $0x38;
	[tilespmem:$0x1C340] =	vst v63  }
0x39: {  	s0 =	ssub.s32 @!p1 s31, s0;
	s29 =	simm.s32 @!p2 $0x2  }
0x3a: {  	s0 =	sand.u32 @!p1 $0xFF, s0;
	s24 =	sadd.s32 $0x800, s24;
	_ =	swait.ge @!p2 [sflag:s29], $0x4000  }
0x3b: {  	s23 =	sadd.s32 $0x80, s23;
	s30 =	sshll.u32 @!p1 s0, $0xE;
	[sflag:s29] =	ssyncset.done @!p2 $0x0  }
0x3c: {  	[sflag:s29] =	ssyncadd.s32 @!p2 $0xFFFFC000;
	s0 =	sadd.s32 @!p1 $0x6400, s30;
	s31 =	sshrl.u32 s22, $0xA  }
0x3d: {  	[tilespmem:s0], [sflag:$0x1] =	stream.indirect.gather @!p1 [spmem:s2], $0x80, s26, s28, $0xb8;
	[tilespmem:$0x1C340] =	vst v63  }
0x3e: {  	s0 =	sand.u32 $0x3F, s31  }
0x3f: {  	s22 =	sadd.s32 $0x3, s21;
	p1 =	sgt.u32 s21, $0xC4;
	s0 =	smul.u32 $0x5, s0  }
0x40: {  	s25 =	smul.u32 @!p1 $0xCD, s22  }
0x41: {  	p2 =	slt.u32 @!p1 s21, $0x2;
	_ =	swait.ge [sflag:s18], $0x4000;
	s0 =	ssub.s32 s21, s0  }
0x42: {  	p2 =	por p2, p1;
	s21 =	sshrl.u32 @!p1 s25, $0xA;
	s0 =	sand.u32 $0xFF, s0  }
0x43: {  	[sflag:s18] =	ssyncset.done $0x0;
	s21 =	sand.u32 @!p1 $0x3F, s21;
	s0 =	sshll.u32 s0, $0xE  }
0x44: {  	[sflag:s18] =	ssyncadd.s32 $0xFFFFC000;
	s21 =	smul.u32 @!p1 $0x5, s21;
	s0 =	sadd.s32 $0x6400, s0  }
0x45: {  	[hbm4b:s24+s3] =	stream.linear.scatter [tilespmem:s0], [sflag:$0x2], $0x4000, $0x38;
	[tilespmem:$0x1C340] =	vst v63  }
0x46: {  	s0 =	simm.s32 @!p2 $0x2;
	s21 =	ssub.s32 @!p1 s22, s21  }
0x47: {  	_ =	swait.ge @!p2 [sflag:s0], $0x4000;
	s21 =	sand.u32 @!p1 $0xFF, s21  }
0x48: {  	[sflag:s0] =	ssyncset.done @!p2 $0x0;
	s21 =	sshll.u32 @!p1 s21, $0xE  }
0x49: {  	s22 =	simm.s32 @!p1 $0x80;
	[sflag:s0] =	ssyncadd.s32 @!p2 $0xFFFFC000;
	s0 =	sadd.s32 @!p1 $0x6400, s21  }
0x4a: {  	[tilespmem:s0], [sflag:$0x1] =	stream.indirect.gather @!p1 [spmem:s2], $0x80, s23, s22, $0xb8;
	[tilespmem:$0x1C340] =	vst v63  }
0x4b: {  	_ =	swait.ge [sflag:s19], $0x4000  }
0x4c: {  	[sflag:s19] =	ssyncset.done $0x0  }
0x4d: {  	[sflag:s19] =	ssyncadd.s32 $0xFFFFC000  }
0x4e: {  	_ =	swait.ge [sflag:s19], $0x4000  }
0x4f: {  	[sflag:s19] =	ssyncset.done $0x0  }
0x50: {  	[sflag:s19] =	ssyncadd.s32 $0xFFFFC000  }
0x51: {  	_ =	swait.ge [sflag:s19], $0x4000  }
0x52: {  	[sflag:s19] =	ssyncset.done $0x0  }
0x53: {  	s20 =	sadd.s32 $0x1, s20;
	[sflag:s19] =	ssyncadd.s32 $0xFFFFC000  }
0x54: {  	p1 =	sne.s32 s20, s7;
	_ =	swait.ge [sflag:s19], $0x4000  }
.Ltmp1:
0x55: {  	[sflag:s19] =	ssyncset.done $0x0;
	(pc) =	sbr.rel @p1 .LBB2_1-.Ltmp1, $4  }
0x56: {  	[sflag:s19] =	ssyncadd.s32 $0xFFFFC000  }
0x57: {  	_ =	swait.ge [sflag:s19], $0x4000  }
0x58: {  	[sflag:s19] =	ssyncset.done $0x0  }
0x59: {  	[sflag:s19] =	ssyncadd.s32 $0xFFFFC000  }
0x5a: {  	_ =	sfence.sel $0x180000  }
0x5b: {  	[bflag:$0x0] =	sbarrier.arrive $0xFFFF  }
0x5c: {  	_ =	strace $0x90000047  }
0x5d: {  	[bflag:$0x2] =	sbarrier.arrive $0xFFFF  }
0x5e: {  	p0 =	sne.s32 s1, $0x0;
	s0 =	rddreg [dreg:$0x3]  }
0x5f: {  	s0 =	sadd.s32 @!p0 $0x100000, s0  }
0x60: {  	[sflag:s0] =	ssyncadd.tile.s32 @!p0 $0x1;
	_ =	shalt  }
.Lfunc_end2:
_tile_overlayer_lowered:
.L_overlay_start_2:
0x61: {  	(tag) =	ssettag $0x2  }
0x62: {  	s0 =	rddreg [dreg:$0x0];
	s2 =	stileid.u32  }
0x63: {  	s1 =	rddreg [dreg:$0x1];
	p0 =	sne.s32 s2, $0x0  }
0x64: {  	s3 =	rddreg [dreg:$0x2];
	[bflag:$0x3] =	sbarrier.arrive $0xFFFF;
	s2 =	simm.s32 @!p0 $0x1C03  }
0x65: {  	[timem:s3], [sflag:s2] =	dma.local @!p0 [hbm:s0], s1  }
0x66: {  	s0 =	simm.s32 @!p0 $0x3  }
0x67: {  	_ =	swait.ge @!p0 [sflag:s0], s1  }
0x68: {  	s1 =	ssub.s32 @!p0 $0x0, s1;
	[sflag:s0] =	ssyncset.done @!p0 $0x0  }
0x69: {  	[sflag:s0] =	ssyncadd.s32 @!p0 s1  }
0x6a: {  	[bflag:$0x3] =	sbarrier.arrive $0xFFFF  }
0x6b: {  	_ =	shalt  }

</sc_bundles>
